<compile_context>
chip_gen: v7x
topology: tpu7x:2x2x1
jax: 0.10.2.dev20260603
libtpu: 0.0.44.dev20260713+nightly
codegen_flags: <defaults>
</compile_context>

<pallas_src>
import functools

import jax
import jax.numpy as jnp
from jax import lax
from jax.experimental import pallas as pl
from jax.experimental.pallas import tpu as pltpu
from jax.experimental.pallas import tpu_sc as plsc


def _tc_body(fm_ref, ln_ref, fk_ref, fq_ref, out_ref, *, hw, bq):
    b = pl.program_id(0)

    f = fm_ref[0]
    sim = lax.dot_general(
        f, ln_ref[0], (((0,), (0,)), ((), ())),
        preferred_element_type=jnp.float32)
    fk = fk_ref[0]
    sim = jnp.where(fk == 1, -1e9, sim)
    m = jnp.max(sim, axis=1, keepdims=True)
    kio = lax.broadcasted_iota(jnp.int32, (bq, hw), 1)
    idx = jnp.min(jnp.where(sim == m, kio, hw), axis=1, keepdims=True)
    fq = fq_ref[0]
    base = b * (hw + 1)
    out_ref[0] = jnp.where(fq == 1, idx + base, hw + base)


def _match_indices(fm, ln, fk, fq, bq):
    bz, c2, hw = fm.shape
    return pl.pallas_call(
        functools.partial(_tc_body, hw=hw, bq=bq),
        grid=(bz, hw // bq),
        in_specs=[
            pl.BlockSpec((1, c2, bq), lambda b, q: (b, 0, q)),
            pl.BlockSpec((1, c2, hw), lambda b, q: (b, 0, 0)),
            pl.BlockSpec((1, 1, hw), lambda b, q: (b, 0, 0)),
            pl.BlockSpec((1, bq, 1), lambda b, q: (b, q, 0)),
        ],
        out_specs=pl.BlockSpec((1, bq, 1), lambda b, q: (b, q, 0)),
        out_shape=jax.ShapeDtypeStruct((bz, hw, 1), jnp.int32),
    )(fm, ln, fk, fq)


def _sc_gather(idx3, table):
    nw, nchunks, _ = idx3.shape
    d = table.shape[1]
    bpw = nchunks * 128
    mesh = plsc.VectorSubcoreMesh(core_axis_name="c", subcore_axis_name="s")
    info = plsc.get_sparse_core_info()

    @functools.partial(
        pl.kernel, mesh=mesh,
        out_type=jax.ShapeDtypeStruct((nw * bpw, d), jnp.float32),
        scratch_types=[
            pltpu.VMEM((nchunks, 128), jnp.int32),
            pltpu.VMEM((bpw, d), jnp.float32),
            pltpu.SemaphoreType.DMA,
        ],
    )
    def k(idx_hbm, table_hbm, out_hbm, idx_v, rows_v, sem):
        wid = lax.axis_index("s") * info.num_cores + lax.axis_index("c")
        pltpu.sync_copy(idx_hbm.at[wid], idx_v)
        copies = [
            pltpu.async_copy(
                table_hbm.at[idx_v.at[j]],
                rows_v.at[pl.ds(j * 128, 128)], sem)
            for j in range(nchunks)
        ]
        for c in copies:
            c.wait()
        pltpu.sync_copy(rows_v, out_hbm.at[pl.ds(wid * bpw, bpw)])

    return k(idx3, table)


def kernel(input, mask):
    bz, c, h, w = input.shape
    c2 = c // 2
    hw = h * w
    fm = input[:, :c2].reshape(bz, c2, hw)
    lt = input[:, c2:].reshape(bz, c2, hw)
    fk = mask.reshape(bz, 1, hw)
    fq = mask.reshape(bz, hw, 1)

    bar = lax.optimization_barrier
    latter_r = bar(lt.transpose(0, 2, 1))
    sq = bar(latter_r * latter_r)
    ssum = bar(jnp.sum(sq, axis=-1, keepdims=True))
    norm = bar(jnp.sqrt(ssum) + 1e-8)
    ln32 = bar(latter_r / norm)
    ln = ln32.transpose(0, 2, 1).astype(jnp.bfloat16)
    fm_bf = fm.astype(jnp.bfloat16)

    idx = _match_indices(fm_bf, ln, fk, fq, bq=256)
    idx3 = idx.reshape(32, -1, 128)

    table = jnp.concatenate(
        [lt, jnp.zeros((bz, c2, 1), input.dtype)], axis=2)
    table = table.transpose(0, 2, 1)
    table = jnp.pad(table, ((0, 0), (0, 0), (0, 128 - c2)))
    table = table.reshape(bz * (hw + 1), 128)

    shift = _sc_gather(idx3, table)[:, :c2]
    shift_img = shift.reshape(bz, hw, c2).transpose(0, 2, 1).reshape(
        bz, c2, h, w)
    return jnp.concatenate([input, shift_img], axis=1)

# --- scband reference (transcript-rebuilt; emitter-appended) ---
"""Pipeline reference for scband-inner-shift-triple-17291538333934 (READ-ONLY COPY).

The authoritative reference and input builder live on the scoring server;
editing this copy changes nothing except your own understanding.
"""

import jax, jax.numpy as jnp
import numpy as np


def setup_inputs(seed: int = 0) -> dict:
    key = jax.random.key(seed)
    k1, k2 = jax.random.split(key)
    inp = jax.random.normal(k1, (2, 128, 64, 64), dtype=jnp.float32)
    mask = jax.random.randint(k2, (2, 1, 64, 64), 0, 2, dtype=jnp.int32)
    return {"input": inp, "mask": mask}


def reference(input, mask):
    # InnerShiftTriple with shift_sz=1, stride=1, mask_thred=1, triple_weight=1.
    # flag == mask (patch size 1), 1 = hole (masked) position.
    bz, c, h, w = input.shape
    c2 = c // 2
    former = input[:, :c2].reshape(bz, c2, h * w).transpose(0, 2, 1)  # [bz, hw, c2]
    latter = input[:, c2:].reshape(bz, c2, h * w).transpose(0, 2, 1)  # [bz, hw, c2]
    flag = mask.reshape(bz, h * w)  # 1 = masked
    # normalize latter patches (filters) as in cross-correlation matching
    norm = jnp.sqrt(jnp.sum(latter * latter, axis=-1, keepdims=True)) + 1e-8
    latter_n = latter / norm
    # cross-correlation of former patches with normalized non-masked latter patches
    sim = jnp.einsum('bqc,bkc->bqk', former, latter_n)  # [bz, hw, hw]
    # exclude masked key positions from matching
    sim = jnp.where(flag[:, None, :] == 1, -1e9, sim)
    ind = jnp.argmax(sim, axis=-1)  # [bz, hw] best non-masked latter pixel per query
    # shift: gather matched latter values (memory-bound gather)
    shift = jnp.take_along_axis(latter, ind[:, :, None], axis=1)  # [bz, hw, c2]
    # only masked query positions receive shifted content; rest are zero
    shift = shift * (flag[:, :, None] == 1).astype(input.dtype)
    shift_img = shift.transpose(0, 2, 1).reshape(bz, c2, h, w)
    # triple output: cat(former_all, latter_all, shift_masked_all) = cat(input, shift)
    return jnp.concatenate([input, shift_img], axis=1)

if __name__ == "__main__":
    import jax
    _d = setup_inputs()
    print(jax.jit(kernel)(*tuple(_d.values())))

</pallas_src>

<mosaic_0001>
#map = affine_map<(d0, d1) -> (0, 0, 0)>
#map1 = affine_map<(d0, d1) -> (0, 0)>
module attributes {stable_mosaic.version = 14 : i64} {
  func.func @k(%arg0: i32, %arg1: i32, %arg2: memref<32x2x128xi32, #tpu.memory_space<hbm>>, %arg3: memref<8194x128xf32, #tpu.memory_space<hbm>>, %arg4: memref<8192x128xf32, #tpu.memory_space<hbm>>, %arg5: memref<2x128xi32, #tpu.memory_space<vmem>>, %arg6: memref<256x128xf32, #tpu.memory_space<vmem>>, %arg7: memref<!tpu.dma_semaphore, #tpu.memory_space<semaphore_mem>>) attributes {dimension_semantics = [#tpu.dimension_semantics<core_parallel>, #tpu.dimension_semantics<subcore_parallel>], iteration_bounds = array<i64: 2, 16>, scalar_prefetch = 0 : i64, scratch_operands = 3 : i64, tpu.core_type = #tpu.core_type<sc_vector_subcore>, window_params = [{transform_indices = #map}, {transform_indices = #map1}, {transform_indices = #map1}]} {
    %mul3A = arith.constant 2 : i32
    %mul3A_0 = arith.muli %arg1, %mul3A : i32
    %add3A = arith.addi %mul3A_0, %arg0 : i32
    "tpu.region"() ({
      %run_scoped3A = tpu.sem_alloc : memref<!tpu.dma_semaphore, #tpu.memory_space<semaphore_mem>>
      %dma_start3A_41 = arith.constant 0 : i32
      %dma_start3A_42 = arith.constant 0 : i32
      %dma_start3A_43 = tpu.memref_slice %arg2[%add3A, %dma_start3A_41, %dma_start3A_42] : memref<32x2x128xi32, #tpu.memory_space<hbm>> -> memref<1x2x128xi32, #tpu.memory_space<hbm>>
      %dma_start3A_44 = tpu.memref_squeeze %dma_start3A_43 : memref<1x2x128xi32, #tpu.memory_space<hbm>> -> memref<2x128xi32, #tpu.memory_space<hbm>>
      %dma_start3A_45 = arith.constant 0 : i32
      %dma_start3A_46 = arith.constant 0 : i32
      %dma_start3A_47 = tpu.memref_slice %arg2[%add3A, %dma_start3A_45, %dma_start3A_46] : memref<32x2x128xi32, #tpu.memory_space<hbm>> -> memref<1x2x128xi32, #tpu.memory_space<hbm>>
      %dma_start3A_48 = tpu.memref_squeeze %dma_start3A_47 : memref<1x2x128xi32, #tpu.memory_space<hbm>> -> memref<2x128xi32, #tpu.memory_space<hbm>>
      tpu.enqueue_dma source(%dma_start3A_48 : memref<2x128xi32, #tpu.memory_space<hbm>>) target(%arg5 : memref<2x128xi32, #tpu.memory_space<vmem>>) target_semaphore(%run_scoped3A : memref<!tpu.dma_semaphore, #tpu.memory_space<semaphore_mem>>)
      %dma_wait3A_49 = arith.constant 0 : i32
      %dma_wait3A_50 = arith.constant 0 : i32
      %dma_wait3A_51 = tpu.memref_slice %arg2[%add3A, %dma_wait3A_49, %dma_wait3A_50] : memref<32x2x128xi32, #tpu.memory_space<hbm>> -> memref<1x2x128xi32, #tpu.memory_space<hbm>>
      %dma_wait3A_52 = tpu.memref_squeeze %dma_wait3A_51 : memref<1x2x128xi32, #tpu.memory_space<hbm>> -> memref<2x128xi32, #tpu.memory_space<hbm>>
      %dma_wait3A_53 = arith.constant 0 : i32
      %dma_wait3A_54 = arith.constant 0 : i32
      %dma_wait3A_55 = tpu.memref_slice %arg2[%add3A, %dma_wait3A_53, %dma_wait3A_54] : memref<32x2x128xi32, #tpu.memory_space<hbm>> -> memref<1x2x128xi32, #tpu.memory_space<hbm>>
      %dma_wait3A_56 = tpu.memref_squeeze %dma_wait3A_55 : memref<1x2x128xi32, #tpu.memory_space<hbm>> -> memref<2x128xi32, #tpu.memory_space<hbm>>
      tpu.wait_dma2 semaphore(%run_scoped3A : memref<!tpu.dma_semaphore, #tpu.memory_space<semaphore_mem>>) src(%dma_wait3A_56 : memref<2x128xi32, #tpu.memory_space<hbm>>) dst(%arg5 : memref<2x128xi32, #tpu.memory_space<vmem>>)
      tpu.yield
    }) : () -> ()
    %dma_start3A = arith.constant 0 : i32
    %dma_start3A_1 = arith.constant 0 : i32
    %dma_start3A_2 = arith.constant 0 : i32
    %dma_start3A_3 = tpu.memref_slice %arg6[%dma_start3A_1, %dma_start3A_2] : memref<256x128xf32, #tpu.memory_space<vmem>> -> memref<128x128xf32, #tpu.memory_space<vmem>>
    %dma_start3A_4 = arith.constant 0 : i32
    %dma_start3A_5 = tpu.memref_slice %arg5[%dma_start3A, %dma_start3A_4] : memref<2x128xi32, #tpu.memory_space<vmem>> -> memref<1x128xi32, #tpu.memory_space<vmem>>
    %dma_start3A_6 = tpu.memref_squeeze %dma_start3A_5 : memref<1x128xi32, #tpu.memory_space<vmem>> -> memref<128xi32, #tpu.memory_space<vmem>>
    %dma_start3A_7 = arith.constant 0 : i32
    %dma_start3A_8 = arith.constant 0 : i32
    %dma_start3A_9 = tpu.memref_slice %arg3[%dma_start3A_7, %dma_start3A_8] : memref<8194x128xf32, #tpu.memory_space<hbm>> -> memref<8194x128xf32, #tpu.memory_space<hbm>>
    tpu.enqueue_indirect_dma source(%dma_start3A_9 : memref<8194x128xf32, #tpu.memory_space<hbm>>) target(%dma_start3A_3 : memref<128x128xf32, #tpu.memory_space<vmem>>) offsets(%dma_start3A_6 : memref<128xi32, #tpu.memory_space<vmem>>) semaphore(%arg7 : memref<!tpu.dma_semaphore, #tpu.memory_space<semaphore_mem>>)
    %dma_start3A_10 = arith.constant 1 : i32
    %dma_start3A_11 = arith.constant 128 : i32
    %dma_start3A_12 = arith.constant 0 : i32
    %dma_start3A_13 = tpu.memref_slice %arg6[%dma_start3A_11, %dma_start3A_12] : memref<256x128xf32, #tpu.memory_space<vmem>> -> memref<128x128xf32, #tpu.memory_space<vmem>>
    %dma_start3A_14 = arith.constant 0 : i32
    %dma_start3A_15 = tpu.memref_slice %arg5[%dma_start3A_10, %dma_start3A_14] : memref<2x128xi32, #tpu.memory_space<vmem>> -> memref<1x128xi32, #tpu.memory_space<vmem>>
    %dma_start3A_16 = tpu.memref_squeeze %dma_start3A_15 : memref<1x128xi32, #tpu.memory_space<vmem>> -> memref<128xi32, #tpu.memory_space<vmem>>
    %dma_start3A_17 = arith.constant 0 : i32
    %dma_start3A_18 = arith.constant 0 : i32
    %dma_start3A_19 = tpu.memref_slice %arg3[%dma_start3A_17, %dma_start3A_18] : memref<8194x128xf32, #tpu.memory_space<hbm>> -> memref<8194x128xf32, #tpu.memory_space<hbm>>
    tpu.enqueue_indirect_dma source(%dma_start3A_19 : memref<8194x128xf32, #tpu.memory_space<hbm>>) target(%dma_start3A_13 : memref<128x128xf32, #tpu.memory_space<vmem>>) offsets(%dma_start3A_16 : memref<128xi32, #tpu.memory_space<vmem>>) semaphore(%arg7 : memref<!tpu.dma_semaphore, #tpu.memory_space<semaphore_mem>>)
    %dma_wait3A = arith.constant 0 : i32
    %dma_wait3A_20 = arith.constant 0 : i32
    %dma_wait3A_21 = arith.constant 0 : i32
    %dma_wait3A_22 = tpu.memref_slice %arg6[%dma_wait3A_20, %dma_wait3A_21] : memref<256x128xf32, #tpu.memory_space<vmem>> -> memref<128x128xf32, #tpu.memory_space<vmem>>
    %dma_wait3A_23 = arith.constant 0 : i32
    %dma_wait3A_24 = tpu.memref_slice %arg5[%dma_wait3A, %dma_wait3A_23] : memref<2x128xi32, #tpu.memory_space<vmem>> -> memref<1x128xi32, #tpu.memory_space<vmem>>
    %dma_wait3A_25 = tpu.memref_squeeze %dma_wait3A_24 : memref<1x128xi32, #tpu.memory_space<vmem>> -> memref<128xi32, #tpu.memory_space<vmem>>
    %dma_wait3A_26 = arith.constant 0 : i32
    %dma_wait3A_27 = arith.constant 0 : i32
    %dma_wait3A_28 = tpu.memref_slice %arg3[%dma_wait3A_26, %dma_wait3A_27] : memref<8194x128xf32, #tpu.memory_space<hbm>> -> memref<8194x128xf32, #tpu.memory_space<hbm>>
    tpu.wait_indirect_dma semaphore(%arg7 : memref<!tpu.dma_semaphore, #tpu.memory_space<semaphore_mem>>) src(%dma_wait3A_28 : memref<8194x128xf32, #tpu.memory_space<hbm>>) dst(%dma_wait3A_22 : memref<128x128xf32, #tpu.memory_space<vmem>>)
    %dma_wait3A_29 = arith.constant 1 : i32
    %dma_wait3A_30 = arith.constant 128 : i32
    %dma_wait3A_31 = arith.constant 0 : i32
    %dma_wait3A_32 = tpu.memref_slice %arg6[%dma_wait3A_30, %dma_wait3A_31] : memref<256x128xf32, #tpu.memory_space<vmem>> -> memref<128x128xf32, #tpu.memory_space<vmem>>
    %dma_wait3A_33 = arith.constant 0 : i32
    %dma_wait3A_34 = tpu.memref_slice %arg5[%dma_wait3A_29, %dma_wait3A_33] : memref<2x128xi32, #tpu.memory_space<vmem>> -> memref<1x128xi32, #tpu.memory_space<vmem>>
    %dma_wait3A_35 = tpu.memref_squeeze %dma_wait3A_34 : memref<1x128xi32, #tpu.memory_space<vmem>> -> memref<128xi32, #tpu.memory_space<vmem>>
    %dma_wait3A_36 = arith.constant 0 : i32
    %dma_wait3A_37 = arith.constant 0 : i32
    %dma_wait3A_38 = tpu.memref_slice %arg3[%dma_wait3A_36, %dma_wait3A_37] : memref<8194x128xf32, #tpu.memory_space<hbm>> -> memref<8194x128xf32, #tpu.memory_space<hbm>>
    tpu.wait_indirect_dma semaphore(%arg7 : memref<!tpu.dma_semaphore, #tpu.memory_space<semaphore_mem>>) src(%dma_wait3A_38 : memref<8194x128xf32, #tpu.memory_space<hbm>>) dst(%dma_wait3A_32 : memref<128x128xf32, #tpu.memory_space<vmem>>)
    %mul3A_39 = arith.constant 256 : i32
    %mul3A_40 = arith.muli %add3A, %mul3A_39 : i32
    "tpu.region"() ({
      %run_scoped3A = tpu.sem_alloc : memref<!tpu.dma_semaphore, #tpu.memory_space<semaphore_mem>>
      %dma_start3A_41 = arith.constant 0 : i32
      %dma_start3A_42 = tpu.memref_slice %arg4[%mul3A_40, %dma_start3A_41] : memref<8192x128xf32, #tpu.memory_space<hbm>> -> memref<256x128xf32, #tpu.memory_space<hbm>>
      %dma_start3A_43 = arith.constant 0 : i32
      %dma_start3A_44 = tpu.memref_slice %arg4[%mul3A_40, %dma_start3A_43] : memref<8192x128xf32, #tpu.memory_space<hbm>> -> memref<256x128xf32, #tpu.memory_space<hbm>>
      tpu.enqueue_dma source(%arg6 : memref<256x128xf32, #tpu.memory_space<vmem>>) target(%dma_start3A_44 : memref<256x128xf32, #tpu.memory_space<hbm>>) target_semaphore(%run_scoped3A : memref<!tpu.dma_semaphore, #tpu.memory_space<semaphore_mem>>)
      %dma_wait3A_45 = arith.constant 0 : i32
      %dma_wait3A_46 = tpu.memref_slice %arg4[%mul3A_40, %dma_wait3A_45] : memref<8192x128xf32, #tpu.memory_space<hbm>> -> memref<256x128xf32, #tpu.memory_space<hbm>>
      %dma_wait3A_47 = arith.constant 0 : i32
      %dma_wait3A_48 = tpu.memref_slice %arg4[%mul3A_40, %dma_wait3A_47] : memref<8192x128xf32, #tpu.memory_space<hbm>> -> memref<256x128xf32, #tpu.memory_space<hbm>>
      tpu.wait_dma2 semaphore(%run_scoped3A : memref<!tpu.dma_semaphore, #tpu.memory_space<semaphore_mem>>) src(%arg6 : memref<256x128xf32, #tpu.memory_space<vmem>>) dst(%dma_wait3A_48 : memref<256x128xf32, #tpu.memory_space<hbm>>)
      tpu.yield
    }) : () -> ()
    return
  }
}

module attributes {stable_mosaic.version = 14 : i64} {
  func.func @_tc_body(%arg0: i32, %arg1: i32, %arg2: memref<1x64x256xbf16, #tpu.memory_space<vmem>>, %arg3: memref<1x64x4096xbf16, #tpu.memory_space<vmem>>, %arg4: memref<1x1x4096xi32, #tpu.memory_space<vmem>>, %arg5: memref<1x256x1xi32, #tpu.memory_space<vmem>>, %arg6: memref<1x256x1xi32, #tpu.memory_space<vmem>>) attributes {dimension_semantics = [#tpu.dimension_semantics<arbitrary>, #tpu.dimension_semantics<arbitrary>], iteration_bounds = array<i64: 2, 16>, scalar_prefetch = 0 : i64, scratch_operands = 0 : i64, tpu.core_type = #tpu.core_type<tc>, window_params = [{transform_indices = @transform_0, window_bounds = array<i64: 1, 64, 256>}, {transform_indices = @transform_1, window_bounds = array<i64: 1, 64, 4096>}, {transform_indices = @transform_2, window_bounds = array<i64: 1, 1, 4096>}, {transform_indices = @transform_3, window_bounds = array<i64: 1, 256, 1>}, {transform_indices = @transform_4, window_bounds = array<i64: 1, 256, 1>}]} {
    %get3A = arith.constant 0 : index
    %get3A_0 = arith.constant 0 : index
    %get3A_1 = arith.constant 0 : index
    %get3A_2 = vector.load %arg2[%get3A, %get3A_0, %get3A_1] : memref<1x64x256xbf16, #tpu.memory_space<vmem>>, vector<1x64x256xbf16>
    %get3A_3 = vector.shape_cast %get3A_2 : vector<1x64x256xbf16> to vector<64x256xbf16>
    %get3A_4 = arith.constant 0 : index
    %get3A_5 = arith.constant 0 : index
    %get3A_6 = arith.constant 0 : index
    %get3A_7 = vector.load %arg3[%get3A_4, %get3A_5, %get3A_6] : memref<1x64x4096xbf16, #tpu.memory_space<vmem>>, vector<1x64x4096xbf16>
    %get3A_8 = vector.shape_cast %get3A_7 : vector<1x64x4096xbf16> to vector<64x4096xbf16>
    %dot_general3A = arith.constant dense<0.000000e+00> : vector<256x4096xf32>
    %dot_general3A_9 = tpu.matmul %get3A_3, %get3A_8, %dot_general3A {dimension_numbers = #tpu.dot_dimension_numbers<[0], [0], [1], [1], [0, 1, 1, 1], [], []>, transpose_lhs_hint = false} : vector<64x256xbf16>, vector<64x4096xbf16>, vector<256x4096xf32> -> vector<256x4096xf32>
    %get3A_10 = arith.constant 0 : index
    %get3A_11 = arith.constant 0 : index
    %get3A_12 = arith.constant 0 : index
    %get3A_13 = vector.load %arg4[%get3A_10, %get3A_11, %get3A_12] : memref<1x1x4096xi32, #tpu.memory_space<vmem>>, vector<1x1x4096xi32>
    %get3A_14 = vector.shape_cast %get3A_13 : vector<1x1x4096xi32> to vector<1x4096xi32>
    %eq3A = arith.constant 1 : i32
    %eq3A_15 = vector.broadcast %eq3A : i32 to vector<1x4096xi32>
    %eq3A_16 = arith.cmpi eq, %get3A_14, %eq3A_15 : vector<1x4096xi32>
    %jit3A = arith.constant -1.000000e+09 : f32
    %broadcast_in_dim3A = vector.shape_cast %eq3A_16 : vector<1x4096xi1> to vector<1x4096xi1>
    %broadcast_in_dim3A_17 = vector.broadcast %broadcast_in_dim3A : vector<1x4096xi1> to vector<256x4096xi1>
    %broadcast_in_dim3A_18 = vector.broadcast %jit3A : f32 to vector<256x4096xf32>
    %select_n3A = arith.select %broadcast_in_dim3A_17, %broadcast_in_dim3A_18, %dot_general3A_9 : vector<256x4096xi1>, vector<256x4096xf32>
    %reduce_max3A = arith.constant dense<0xFF800000> : vector<256xf32>
    %reduce_max3A_19 = vector.multi_reduction <maximumf>, %select_n3A, %reduce_max3A [1] : vector<256x4096xf32> to vector<256xf32>
    %broadcast_in_dim3A_20 = vector.shape_cast %reduce_max3A_19 : vector<256xf32> to vector<256x1xf32>
    %iota3A = tpu.iota {dimensions = array<i32: 1>} : vector<256x4096xi32>
    %eq3A_21 = vector.broadcast %broadcast_in_dim3A_20 : vector<256x1xf32> to vector<256x4096xf32>
    %eq3A_22 = arith.cmpf oeq, %select_n3A, %eq3A_21 : vector<256x4096xf32>
    %jit3A_23 = arith.constant 4096 : i32
    %broadcast_in_dim3A_24 = vector.broadcast %jit3A_23 : i32 to vector<256x4096xi32>
    %select_n3A_25 = arith.select %eq3A_22, %iota3A, %broadcast_in_dim3A_24 : vector<256x4096xi1>, vector<256x4096xi32>
    %reduce_min3A = arith.constant dense<2147483647> : vector<256xi32>
    %reduce_min3A_26 = vector.multi_reduction <minsi>, %select_n3A_25, %reduce_min3A [1] : vector<256x4096xi32> to vector<256xi32>
    %broadcast_in_dim3A_27 = vector.shape_cast %reduce_min3A_26 : vector<256xi32> to vector<256x1xi32>
    %get3A_28 = arith.constant 0 : index
    %get3A_29 = arith.constant 0 : index
    %get3A_30 = arith.constant 0 : index
    %get3A_31 = vector.load %arg5[%get3A_28, %get3A_29, %get3A_30] : memref<1x256x1xi32, #tpu.memory_space<vmem>>, vector<1x256x1xi32>
    %get3A_32 = vector.shape_cast %get3A_31 : vector<1x256x1xi32> to vector<256x1xi32>
    %mul3A = arith.constant 4097 : i32
    %mul3A_33 = arith.muli %arg0, %mul3A : i32
    %eq3A_34 = arith.constant 1 : i32
    %eq3A_35 = vector.broadcast %eq3A_34 : i32 to vector<256x1xi32>
    %eq3A_36 = arith.cmpi eq, %get3A_32, %eq3A_35 : vector<256x1xi32>
    %add3A = vector.broadcast %mul3A_33 : i32 to vector<256x1xi32>
    %add3A_37 = arith.addi %broadcast_in_dim3A_27, %add3A : vector<256x1xi32>
    %add3A_38 = arith.constant 4096 : i32
    %add3A_39 = arith.addi %add3A_38, %mul3A_33 : i32
    %broadcast_in_dim3A_40 = vector.broadcast %add3A_39 : i32 to vector<256x1xi32>
    %select_n3A_41 = arith.select %eq3A_36, %add3A_37, %broadcast_in_dim3A_40 : vector<256x1xi1>, vector<256x1xi32>
    %swap3A = arith.constant 0 : index
    %swap3A_42 = arith.constant 0 : index
    %swap3A_43 = arith.constant 0 : index
    %swap3A_44 = vector.load %arg6[%swap3A, %swap3A_42, %swap3A_43] : memref<1x256x1xi32, #tpu.memory_space<vmem>>, vector<1x256x1xi32>
    %swap3A_45 = vector.shape_cast %swap3A_44 : vector<1x256x1xi32> to vector<256x1xi32>
    %swap3A_46 = vector.shape_cast %select_n3A_41 : vector<256x1xi32> to vector<1x256x1xi32>
    tpu.vector_store %arg6[%swap3A, %swap3A_42, %swap3A_43], %swap3A_46 {strides = array<i32>} : memref<1x256x1xi32, #tpu.memory_space<vmem>>, vector<1x256x1xi32>,
    return
  }
  func.func @transform_0(%arg0: i32, %arg1: i32) -> (i32, i32, i32) {
    %c0_i32 = arith.constant 0 : i32
    %c0_i32_0 = arith.constant 0 : i32
    return %arg0, %c0_i32, %arg1 : i32, i32, i32
  }
  func.func @transform_1(%arg0: i32, %arg1: i32) -> (i32, i32, i32) {
    %c0_i32 = arith.constant 0 : i32
    %c0_i32_0 = arith.constant 0 : i32
    %c0_i32_1 = arith.constant 0 : i32
    return %arg0, %c0_i32, %c0_i32_0 : i32, i32, i32
  }
  func.func @transform_2(%arg0: i32, %arg1: i32) -> (i32, i32, i32) {
    %c0_i32 = arith.constant 0 : i32
    %c0_i32_0 = arith.constant 0 : i32
    %c0_i32_1 = arith.constant 0 : i32
    return %arg0, %c0_i32, %c0_i32_0 : i32, i32, i32
  }
  func.func @transform_3(%arg0: i32, %arg1: i32) -> (i32, i32, i32) {
    %c0_i32 = arith.constant 0 : i32
    %c0_i32_0 = arith.constant 0 : i32
    return %arg0, %arg1, %c0_i32 : i32, i32, i32
  }
  func.func @transform_4(%arg0: i32, %arg1: i32) -> (i32, i32, i32) {
    %c0_i32 = arith.constant 0 : i32
    %c0_i32_0 = arith.constant 0 : i32
    return %arg0, %arg1, %c0_i32 : i32, i32, i32
  }
}

</mosaic_0001>

<sc_bundles>
// kernel: kernel.4.cloned.1.call-start
scs
__scs_entry_jumppad:
0x0: {  	(pc) =	sbr.rel $0x88, $3  }
0x1: {  	(tag) =	ssettag $0x0;
	lr =	simm.s32 $0x1  }
0x2: {  	[smem:$0x3F9F] =	sst lr;
	_ =	strace $0xD0000000  }
0x3: {  	_ = 	snop  }
0x4: {  	_ = 	snop  }
0x5: {  	_ = 	snop  }
0x6: {  	_ = 	snop  }
0x7: {  	_ = 	snop  }
__scs_overlays_trampoline_lowered:
0x8: {  	[smem:$0x3FAE] =	sst s0  }
0x9: {  	[smem:$0x3FAF] =	sst s1  }
0xa: {  	[smem:$0x3FB0] =	sst s2  }
0xb: {  	[smem:$0x3FB1] =	sst s3  }
0xc: {  	[smem:$0x3FB2] =	sst s4  }
0xd: {  	[smem:$0x3FB3] =	sst s5  }
0xe: {  	[smem:$0x3FB4] =	sst s6  }
0xf: {  	[smem:$0x3FB5] =	sst s7  }
0x10: {  	[smem:$0x3FB6] =	sst s8  }
0x11: {  	[smem:$0x3FB7] =	sst s9;
	s0 =	simm.s32 @!p0 $0x0  }
0x12: {  	s1 =	sld [smem:$0x3F9D];
	s0 =	simm.s32 @p0 $0x1  }
0x13: {  	[smem:$0x3FB8] =	sst s0;
	s0 =	simm.s32 @!p1 $0x0  }
0x14: {  	s2 =	sld [smem:$0x3F9C];
	s0 =	simm.s32 @p1 $0x1  }
0x15: {  	[smem:$0x3FB9] =	sst s0;
	s0 =	simm.s32 @!p2 $0x0  }
0x16: {  	s3 =	sld [smem:$0x3FDB];
	s0 =	simm.s32 @p2 $0x1  }
0x17: {  	s4 =	simm.s32 $0x1BF5;
	[smem:$0x3FBB] =	sst s0  }
0x18: {  	s0 =	sld [smem:$0x3F9E];
	_ =	swait.ge [sflag:s4], $0x0  }
0x19: {  	s7 =	sld [smem:$0x3F9F]  }
0x1a: {  	s8 =	sadd.s32 $0xFFFFE003, lr  }
0x1b: {  	s9 =	sadd.s32 $0xFFFFFEF7, lr;
	s5 =	simm.s32 $0xFFFFFFFF;
	p2 =	slt.u32 s8, $0xFFFFF086  }
0x1c: {  	p1 =	slt.u32 s9, $0xF7A;
	s5 =	simm.s32 @!p2 $0x0  }
0x1d: {  	s5 =	simm.s32 @p1 $0x1;
	p0 =	seq.s32 s7, s2  }
0x1e: {  	s7 =	smul.u32 @!p0 $0xF7A, s2;
	p2 =	seq.s32 @!p0 s5, $0x0  }
0x1f: {  	s9 =	smul.u32 $0xF7A, s1;
	s8 =	simm.s32 @!p0 $0x1BF5;
	p2 =	por !p2, p0  }
0x20: {  	[sflag:s8] =	ssyncset.s32 @!p0 $0xFFFFF086;
	s6 =	sadd.s32 @!p0 s3, s7;
	s7 =	simm.s32 @!p0 $0x108  }
0x21: {  	s3 =	sadd.s32 s3, s9;
	s6 =	sadd.s32 @!p0 $0x88, s6;
	s7 =	simm.s32 @p2 $0x1082  }
0x22: {  	[simem:s7], [sflag:s8] =	dma.local @!p0 [hbm:s6], $0xF7A  }
0x23: {  	s9 =	sor.u32 $0xD0000000, s2;
	s6 =	simm.s32 $0x108;
	_ =	swait.ge @!p0 [sflag:s8], $0x0  }
0x24: {  	s3 =	sadd.s32 $0x88, s3;
	s6 =	simm.s32 @!p1 $0x1082;
	[sflag:s4] =	ssyncset.s32 $0xFFFFF086  }
0x25: {  	[simem:s6], [sflag:s4] =	dma.local [hbm:s3], $0xF7A  }
0x26: {  	[smem:$0x3F9F] =	sst s1;
	(tag) =	ssettag s2;
	_ =	strace s9  }
0x27: {  	s1 =	sld [smem:$0x3FAF]  }
0x28: {  	s2 =	sld [smem:$0x3FB0]  }
0x29: {  	s4 =	sld [smem:$0x3FB2]  }
0x2a: {  	p0 =	seq.s32 s5, $0x0;
	s5 =	sld [smem:$0x3FB3]  }
0x2b: {  	s6 =	sld [smem:$0x3FB4]  }
0x2c: {  	s7 =	sld [smem:$0x3FB5]  }
0x2d: {  	s3 =	simm.s32 $0x108;
	s8 =	sld [smem:$0x3FB6]  }
0x2e: {  	s3 =	simm.s32 @!p0 $0x1082;
	s9 =	sld [smem:$0x3FB7]  }
0x2f: {  	lr =	sadd.s32 s0, s3;
	s0 =	sld [smem:$0x3FAE]  }
0x30: {  	s3 =	sld [smem:$0x3FB1]  }
0x31: {  	[smem:$0x3FBA] =	sst s10  }
0x32: {  	s10 =	sld [smem:$0x3FB8];
	_ =	sdelay $0x3  }
0x33: {  	p0 =	seq.s32 s10, $0x1;
	s10 =	sld [smem:$0x3FBA];
	_ =	sdelay $0x3  }
0x34: {  	[smem:$0x3FBA] =	sst s10  }
0x35: {  	s10 =	sld [smem:$0x3FB9];
	_ =	sdelay $0x3  }
0x36: {  	p1 =	seq.s32 s10, $0x1;
	s10 =	sld [smem:$0x3FBA];
	_ =	sdelay $0x3  }
0x37: {  	[smem:$0x3FBA] =	sst s10  }
0x38: {  	s10 =	sld [smem:$0x3FBB]  }
0x39: {  	_ = 	snop;
	(pc) =	sbr.ind lr, $3  }
0x3a: {  	_ = 	snop  }
0x3b: {  	_ = 	snop  }
0x3c: {  	p2 =	seq.s32 s10, $0x1;
	s10 =	sld [smem:$0x3FBA]  }
0x3d: {  	_ =	shalt  }
0x3e: {  	_ =	shalt  }
0x3f: {  	_ =	shalt  }
0x40: {  	_ =	shalt  }
0x41: {  	_ =	shalt  }
0x42: {  	_ =	shalt  }
0x43: {  	_ =	shalt  }
0x44: {  	_ =	shalt  }
0x45: {  	_ =	shalt  }
0x46: {  	_ =	shalt  }
0x47: {  	_ =	shalt  }
0x48: {  	_ =	shalt  }
0x49: {  	_ =	shalt  }
0x4a: {  	_ =	shalt  }
0x4b: {  	_ =	shalt  }
0x4c: {  	_ =	shalt  }
0x4d: {  	_ =	shalt  }
0x4e: {  	_ =	shalt  }
0x4f: {  	_ =	shalt  }
0x50: {  	_ =	shalt  }
0x51: {  	_ =	shalt  }
0x52: {  	_ =	shalt  }
0x53: {  	_ =	shalt  }
0x54: {  	_ =	shalt  }
0x55: {  	_ =	shalt  }
0x56: {  	_ =	shalt  }
0x57: {  	_ =	shalt  }
0x58: {  	_ =	shalt  }
0x59: {  	_ =	shalt  }
0x5a: {  	_ =	shalt  }
0x5b: {  	_ =	shalt  }
0x5c: {  	_ =	shalt  }
0x5d: {  	_ =	shalt  }
0x5e: {  	_ =	shalt  }
0x5f: {  	_ =	shalt  }
0x60: {  	_ =	shalt  }
0x61: {  	_ =	shalt  }
0x62: {  	_ =	shalt  }
0x63: {  	_ =	shalt  }
0x64: {  	_ =	shalt  }
0x65: {  	_ =	shalt  }
0x66: {  	_ =	shalt  }
0x67: {  	_ =	shalt  }
0x68: {  	_ =	shalt  }
0x69: {  	_ =	shalt  }
0x6a: {  	_ =	shalt  }
0x6b: {  	_ =	shalt  }
0x6c: {  	_ =	shalt  }
0x6d: {  	_ =	shalt  }
0x6e: {  	_ =	shalt  }
0x6f: {  	_ =	shalt  }
0x70: {  	_ =	shalt  }
0x71: {  	_ =	shalt  }
0x72: {  	_ =	shalt  }
0x73: {  	_ =	shalt  }
0x74: {  	_ =	shalt  }
0x75: {  	_ =	shalt  }
0x76: {  	_ =	shalt  }
0x77: {  	_ =	shalt  }
0x78: {  	_ =	shalt  }
0x79: {  	_ =	shalt  }
0x7a: {  	_ =	shalt  }
0x7b: {  	_ =	shalt  }
0x7c: {  	_ =	shalt  }
0x7d: {  	_ =	shalt  }
0x7e: {  	_ =	shalt  }
0x7f: {  	_ =	shalt  }
0x80: {  	_ =	shalt  }
0x81: {  	_ =	shalt  }
0x82: {  	_ =	shalt  }
0x83: {  	_ =	shalt  }
0x84: {  	_ =	shalt  }
0x85: {  	_ =	shalt  }
0x86: {  	_ =	shalt  }
0x87: {  	_ =	shalt  }
.Lfunc_end0:
.L_simem_size_0:
called_computation_lowered:
.L_overlay_start_0:
0x88: {  	s2 =	sld [smem:$0x3FD9]  }
0x89: {  	s3 =	sld [smem:$0x3FFE];
	_ =	sdelay $0x1  }
0x8a: {  	s1 =	srdreg.scid  }
0x8b: {  	s0 =	sand.u32 $0x1, s1  }
0x8c: {  	s17 =	sshll.u32 s0, $0xA;
	s2 =	sadd.s32 s3, s2  }
0x8d: {  	s2 =	sadd.s32 s2, s17  }
0x8e: {  	[smem:$0x3FC6] =	sst s2  }
0x8f: {  	_ = 	snop  }
0x90: {  	s2 =	sld [smem:$0x3FD0];
	(tm) =	ssettm $0x1  }
0x91: {  	s18 =	sld [smem:$0x3FFB];
	_ =	sdelay $0x3  }
0x92: {  	_ =	strace s18  }
0x93: {  	s3 =	sld [smem:$0x3FFC];
	_ =	sdelay $0x3  }
0x94: {  	_ =	strace s3  }
0x95: {  	s3 =	sld [smem:$0x3FFD];
	_ =	sdelay $0x3  }
0x96: {  	_ =	strace s3  }
0x97: {  	_ =	strace $0x8FFFFFFF  }
0x98: {  	s19 =	sld [smem:$0x3FDB];
	_ =	sdelay $0x1  }
0x99: {  	s4 =	simm.s32 $_scs_section_size  }
0x9a: {  	s5 =	simm.s32 $_size__tile_overlayer_lowered;
	s6 =	simm.s32 $_tile_overlayer_lowered  }
0x9b: {  	s22 =	simm.s32 $0x1BFF;
	s21 =	sshll.u32 s6, $0x1;
	s3 =	sadd.s32 s4, s19  }
0x9c: {  	s7 =	simm.s32 $0x0;
	s20 =	sshll.u32 s5, $0x1;
	s5 =	sadd.s32 s21, s3  }
0x9d: {  	[timem:s7], [sflag:s22] =	dma.local [hbm:s5], s20  }
0x9e: {  	_ =	swait.ge [sflag:s22], s20  }
0x9f: {  	s4 =	ssub.s32 $0x0, s20;
	[sflag:s22] =	ssyncset.done $0x0  }
0xa0: {  	[sflag:s22] =	ssyncadd.s32 s4;
	_ =	sdelay $0x1  }
0xa1: {  	s23 =	simm.s32 $0x1B8B  }
0xa2: {  	_ =	swait.ge [sflag:s23], $0x1  }
0xa3: {  	[sflag:s23] =	ssyncset.done $0x0  }
0xa4: {  	s25 =	simm.s32 $0x1B8E;
	s24 =	sld [smem:$0x3FFE];
	[sflag:s23] =	ssyncadd.s32 $0xFFFFFFFF  }
0xa5: {  	s26 =	simm.s32 $execute0_lowered;
	[smem:$0x3FD2] =	sst s25  }
0xa6: {  	s5 =	sshll.u32 s26, $0x1;
	_ =	strace $0x80000046;
	[dreg:$0x1] =	wrdreg $0xFFFFFFFF  }
0xa7: {  	s28 =	simm.s32 $_size_execute0_lowered;
	s3 =	sadd.s32 s3, s5;
	[dreg:$0x0] =	wrdreg $0x0  }
0xa8: {  	s5 =	sshll.u32 s28, $0x1;
	[dreg:$0x2] =	wrdreg s3  }
0xa9: {  	[dreg:$0x3] =	wrdreg s5  }
0xaa: {  	[dreg:$0x4] =	wrdreg $0xC0  }
0xab: {  	_ =	task [dreg:s7], $0x5FFFF  }
0xac: {  	[dreg:$0x1] =	wrdreg $0xFFFFFFFF  }
0xad: {  	[dreg:$0x0] =	wrdreg $0x60  }
0xae: {  	[dreg:$0x2] =	wrdreg s24  }
0xaf: {  	[dreg:$0x3] =	wrdreg s2  }
0xb0: {  	[dreg:$0x4] =	wrdreg $0x9  }
0xb1: {  	_ =	task.clear_ibuf [dreg:s7], $0x5FFFF;
	_ =	strace $0x90000046  }
0xb2: {  	s29 =	simm.s32 $0x9;
	_ =	strace $0x80000048  }
0xb3: {  	_ =	swait.ge [sflag:s29], $0x1  }
0xb4: {  	[sflag:s29] =	ssyncadd.s32 $0xFFFFFFFF  }
0xb5: {  	_ =	strace $0x90000048  }
0xb6: {  	_ =	sfence  }
0xb7: {  	s30 =	sld [smem:$0x0];
	_ =	sdelay $0x2  }
0xb8: {  	s31 =	sshll.u32 s1, $0xD;
	s1 =	sshrl.u32 s1, $0x2  }
0xb9: {  	s3 =	sand.u32 $0x4000, s31;
	s1 =	sadd.s32 s1, s30  }
0xba: {  	s0 =	sor.u32 s3, s0;
	s1 =	sshll.u32 s1, $0x11  }
0xbb: {  	s0 =	sor.u32 s1, s0  }
0xbc: {  	s0 =	sadd.s32 $0x8F2B, s0  }
0xbd: {  	[sflag:s0] =	ssyncadd.remote.s32 $0x1  }
0xbe: {  	_ =	sfence.sel $0xFFFF  }
0xbf: {  	[dreg:$0x0] =	wrdreg $0xFFFFFFFF;
	(pc) =	sbr.abs _section_cstart, $3  }
0xc0: {  	[dreg:$0x1] =	wrdreg $0xFFFFFFFF  }
0xc1: {  	_ =	task.clear_ibuf [dreg:s7], $0x2FFFF;
	_ =	strace $0x9FFFFFFF  }
0xc2: {  	(tm) =	ssettm $0x7FFFFFFF  }
0xc3: {  	_ =	shalt  }
tec
execute0_lowered:
.L_overlay_start_1:
0x0: {  	(tag) =	ssettag $0x1  }
0x1: {  	s1 =	srdreg.scid  }
0x2: {  	s10 =	rddreg [dreg:$0x0];
	s0 =	stileid.u32;
	s11 =	sand.u32 $0x1, s1  }
0x3: {  	s2 =	rddreg [dreg:$0x1];
	s4 =	sshll.u32 s0, $0x9;
	s5 =	sshll.u32 s11, $0x8  }
0x4: {  	s3 =	simm.s32 $0x0;
	s1 =	rddreg [dreg:$0x2];
	s12 =	sor.u32 s5, s4  }
0x5: {  	[smem:$0x7FF] =	sst s3;
	s4 =	sshrl.u32 s12, $0x3  }
0x6: {  	_ =	strace $0x80000047;
	s5 =	sadd.s32 s10, s4;
	s4 =	simm.s32 $0x2  }
0x7: {  	[tilespmem:s3], [sflag:$0x2] =	stream.linear.gather [hbm4b:s5+s3], $0x100, $0x38;
	[tilespmem:$0x8100] =	vst v63  }
0x8: {  	_ =	swait.ge [sflag:s4], $0x100  }
0x9: {  	[sflag:s4] =	ssyncset.done $0x0  }
0xa: {  	s6 =	simm.s32 $0x80;
	s7 =	simm.s32 $0x100;
	[sflag:s4] =	ssyncadd.s32 $0xFFFFFF00  }
0xb: {  	[tilespmem:s7], [sflag:$0x1] =	stream.indirect.gather [hbm4b:s2+s6], $0x80, s3, s6, $0xb8;
	[tilespmem:$0x8100] =	vst v63  }
0xc: {  	s8 =	simm.s32 $0x4100;
	s9 =	simm.s32 $0x1;
	s11 =	ssub.s32 $0x2, s11  }
0xd: {  	[tilespmem:s8], [sflag:$0x1] =	stream.indirect.gather [hbm4b:s2+s6], $0x80, s6, s6, $0xb8;
	[tilespmem:$0x8100] =	vst v63  }
0xe: {  	s13 =	sshrl.u32 s11, $0x1;
	_ =	swait.ge [sflag:s9], $0x4000  }
0xf: {  	s11 =	ssub.s32 s11, s13;
	[sflag:s9] =	ssyncset.done $0x0  }
0x10: {  	s11 =	smax.u32 s11, $0x1;
	[sflag:s9] =	ssyncadd.s32 $0xFFFFC000  }
0x11: {  	s12 =	sshll.u32 s12, $0x4;
	p0 =	sne.s32 s11, $0x1;
	_ =	swait.ge [sflag:s9], $0x4000  }
.Ltmp0:
0x12: {  	s10 =	sadd.s32 s12, s10;
	[sflag:s9] =	ssyncset.done $0x0;
	(pc) =	sbr.rel @!p0 .LBB2_2-.Ltmp0, $4  }
0x13: {  	s10 =	sadd.s32 $0x400, s10;
	[sflag:s9] =	ssyncadd.s32 $0xFFFFC000  }
0x14: {  	[hbm4b:s10+s3] =	stream.linear.scatter [tilespmem:s7], [sflag:$0x2], $0x8000, $0x38;
	[tilespmem:$0x8100] =	vst v63  }
0x15: {  	_ =	swait.ge [sflag:s4], $0x8000  }
0x16: {  	s11 =	sadd.s32 $0xFFFFFFFF, s11;
	[sflag:s4] =	ssyncset.done $0x0  }
.LBB2_1:
0x17: {  	p0 =	sne.s32 s11, $0x1;
	s11 =	sadd.s32 $0xFFFFFFFF, s11;
	[sflag:s4] =	ssyncadd.s32 $0xFFFF8000  }
0x18: {  	[tilespmem:s3], [sflag:$0x2] =	stream.linear.gather [hbm4b:s5+s3], $0x100, $0x38;
	[tilespmem:$0x8100] =	vst v63  }
0x19: {  	_ =	swait.ge [sflag:s4], $0x100  }
0x1a: {  	[sflag:s4] =	ssyncset.done $0x0  }
0x1b: {  	[sflag:s4] =	ssyncadd.s32 $0xFFFFFF00  }
0x1c: {  	[tilespmem:s7], [sflag:$0x1] =	stream.indirect.gather [hbm4b:s2+s6], $0x80, s3, s6, $0xb8;
	[tilespmem:$0x8100] =	vst v63  }
0x1d: {  	_ = 	snop  }
0x1e: {  	[tilespmem:s8], [sflag:$0x1] =	stream.indirect.gather [hbm4b:s2+s6], $0x80, s6, s6, $0xb8;
	[tilespmem:$0x8100] =	vst v63  }
0x1f: {  	_ =	swait.ge [sflag:s9], $0x4000  }
0x20: {  	[sflag:s9] =	ssyncset.done $0x0  }
0x21: {  	[sflag:s9] =	ssyncadd.s32 $0xFFFFC000  }
0x22: {  	_ =	swait.ge [sflag:s9], $0x4000  }
.Ltmp1:
0x23: {  	[sflag:s9] =	ssyncset.done $0x0;
	(pc) =	sbr.rel @p0 .LBB2_1-.Ltmp1, $4  }
0x24: {  	[sflag:s9] =	ssyncadd.s32 $0xFFFFC000  }
0x25: {  	[hbm4b:s10+s3] =	stream.linear.scatter [tilespmem:s7], [sflag:$0x2], $0x8000, $0x38;
	[tilespmem:$0x8100] =	vst v63  }
0x26: {  	_ =	swait.ge [sflag:s4], $0x8000  }
0x27: {  	[sflag:s4] =	ssyncset.done $0x0  }
.LBB2_2:
0x28: {  	[sflag:s4] =	ssyncadd.s32 $0xFFFF8000  }
0x29: {  	_ =	sfence.sel $0x180000  }
0x2a: {  	[bflag:$0x0] =	sbarrier.arrive $0xFFFF  }
0x2b: {  	p0 =	sne.s32 s0, $0x0;
	_ =	strace $0x90000047  }
0x2c: {  	s0 =	sadd.s32 @!p0 $0x100000, s1;
	[bflag:$0x2] =	sbarrier.arrive $0xFFFF  }
0x2d: {  	[sflag:s0] =	ssyncadd.tile.s32 @!p0 $0x1;
	_ =	shalt  }
.Lfunc_end2:
_tile_overlayer_lowered:
.L_overlay_start_2:
0x2e: {  	(tag) =	ssettag $0x2  }
0x2f: {  	s0 =	rddreg [dreg:$0x0];
	s2 =	stileid.u32  }
0x30: {  	s1 =	rddreg [dreg:$0x1];
	p0 =	sne.s32 s2, $0x0  }
0x31: {  	s3 =	rddreg [dreg:$0x2];
	[bflag:$0x3] =	sbarrier.arrive $0xFFFF;
	s2 =	simm.s32 @!p0 $0x1C02  }
0x32: {  	[timem:s3], [sflag:s2] =	dma.local @!p0 [hbm:s0], s1  }
0x33: {  	s0 =	simm.s32 @!p0 $0x2  }
0x34: {  	_ =	swait.ge @!p0 [sflag:s0], s1  }
0x35: {  	s1 =	ssub.s32 @!p0 $0x0, s1;
	[sflag:s0] =	ssyncset.done @!p0 $0x0  }
0x36: {  	[sflag:s0] =	ssyncadd.s32 @!p0 s1  }
0x37: {  	[bflag:$0x3] =	sbarrier.arrive $0xFFFF  }
0x38: {  	_ =	shalt  }

</sc_bundles>
